<compile_context>
chip_gen: v7x
topology: tpu7x:2x2x1
jax: 0.10.2.dev20260603
libtpu: 0.0.44.dev20260713+nightly
codegen_flags: <defaults>
</compile_context>

<pallas_src>
import functools

import jax
import jax.numpy as jnp
from jax import lax
from jax.experimental import pallas as pl
from jax.experimental.pallas import tpu as pltpu
from jax.experimental.pallas import tpu_sc as plsc

N_NODES = 10000
N_EDGES = 320000
D_FEAT = 128

NC = 2
NS = 16
NW = NC * NS
CHUNK = 96
NCHUNKS = 105
EDGES_PER_TILE = NCHUNKS * CHUNK
PADDED_E = NW * EDGES_PER_TILE
ACC_ROWS = 10240
ROWS_PER_TILE = ACC_ROWS // NS
N_PAD_ROWS = ACC_ROWS - N_NODES

NBUF = 2


def _sc_kernel_body(x_hbm, s_hbm, r_hbm, zeros_hbm, out_hbm,
                    sidx_v, ridx_v, rows_v, sems, zsem, acc_sh):
    c = lax.axis_index("c")
    s = lax.axis_index("s")
    tid = c * NS + s
    row0 = s * ROWS_PER_TILE
    ebase = tid * EDGES_PER_TILE

    zero_cp = pltpu.async_copy(zeros_hbm, acc_sh.at[pl.ds(row0, ROWS_PER_TILE)],
                               zsem)
    pltpu.sync_copy(s_hbm.at[pl.ds(ebase, EDGES_PER_TILE)], sidx_v)
    pltpu.sync_copy(r_hbm.at[pl.ds(ebase, EDGES_PER_TILE)], ridx_v)
    for b in range(NBUF):
        pltpu.async_copy(x_hbm.at[sidx_v.at[pl.ds(b * CHUNK, CHUNK)]],
                         rows_v[b], sems[b])
    zero_cp.wait()
    plsc.subcore_barrier()

    def chunk_body(g, _):
        for b in range(NBUF):
            j = g * NBUF + b
            pltpu.make_async_copy(
                x_hbm.at[sidx_v.at[pl.ds(j * CHUNK, CHUNK)]],
                rows_v[b], sems[b]).wait()
            pltpu.sync_copy(rows_v[b],
                            acc_sh.at[ridx_v.at[pl.ds(j * CHUNK, CHUNK)]],
                            add=True)

            @pl.when(j + NBUF < NCHUNKS)
            def _issue():
                pltpu.async_copy(
                    x_hbm.at[sidx_v.at[pl.ds((j + NBUF) * CHUNK, CHUNK)]],
                    rows_v[b], sems[b])
        return _

    lax.fori_loop(0, NCHUNKS // NBUF, chunk_body, None)
    jt = NCHUNKS - 1
    pltpu.make_async_copy(x_hbm.at[sidx_v.at[pl.ds(jt * CHUNK, CHUNK)]],
                          rows_v[0], sems[0]).wait()
    pltpu.sync_copy(rows_v[0], acc_sh.at[ridx_v.at[pl.ds(jt * CHUNK, CHUNK)]],
                    add=True)
    plsc.subcore_barrier()

    pltpu.sync_copy(acc_sh.at[pl.ds(row0, ROWS_PER_TILE)],
                    out_hbm.at[c, pl.ds(row0, ROWS_PER_TILE)])


_sc_call = functools.partial(
    pl.kernel,
    out_type=jax.ShapeDtypeStruct((NC, ACC_ROWS, D_FEAT), jnp.float32),
    mesh=plsc.VectorSubcoreMesh(core_axis_name="c", subcore_axis_name="s"),
    scratch_types=[
        pltpu.VMEM((EDGES_PER_TILE,), jnp.int32),
        pltpu.VMEM((EDGES_PER_TILE,), jnp.int32),
        [pltpu.VMEM((CHUNK, D_FEAT), jnp.float32)] * NBUF,
        [pltpu.SemaphoreType.DMA] * NBUF,
        pltpu.SemaphoreType.DMA,
        pltpu.VMEM_SHARED((ACC_ROWS, D_FEAT), jnp.float32),
    ],
)(_sc_kernel_body)


TC_BLOCK = 1000


def _tc_kernel_body(p_ref, w_ref, o_ref):
    summed = p_ref[0] + p_ref[1]
    o_ref[...] = jnp.maximum(
        jax.lax.dot(summed, w_ref[...], preferred_element_type=jnp.float32), 0.0)


def _tc_matmul(partials, W):
    return pl.pallas_call(
        _tc_kernel_body,
        grid=(N_NODES // TC_BLOCK,),
        in_specs=[
            pl.BlockSpec((NC, TC_BLOCK, D_FEAT), lambda i: (0, i, 0)),
            pl.BlockSpec((D_FEAT, D_FEAT), lambda i: (0, 0)),
        ],
        out_specs=pl.BlockSpec((TC_BLOCK, D_FEAT), lambda i: (i, 0)),
        out_shape=jax.ShapeDtypeStruct((N_NODES, D_FEAT), jnp.float32),
    )(partials, W)


def kernel(x, edge_index, W):
    pad = PADDED_E - N_EDGES
    sender = jnp.concatenate(
        [edge_index[0].astype(jnp.int32), jnp.zeros((pad,), jnp.int32)])
    pad_recv = N_NODES + (jnp.arange(pad, dtype=jnp.int32) % N_PAD_ROWS)
    receiver = jnp.concatenate([edge_index[1].astype(jnp.int32), pad_recv])
    zeros = jnp.zeros((ROWS_PER_TILE, D_FEAT), jnp.float32)
    partials = _sc_call(x, sender, receiver, zeros)
    return _tc_matmul(partials, W)

# --- scband reference (transcript-rebuilt; emitter-appended) ---
"""Pipeline reference for scband-message-gcn-65111704207517 (READ-ONLY COPY).

The authoritative reference and input builder live on the scoring server;
editing this copy changes nothing except your own understanding.
"""

import jax, jax.numpy as jnp
import numpy as np

N_NODES = 10000
N_EDGES = 320000
D_FEAT = 128

def setup_inputs(seed: int = 0) -> dict:
    key = jax.random.key(seed)
    k1, k2, k3 = jax.random.split(key, 3)
    x = jax.random.normal(k1, (N_NODES, D_FEAT), dtype=jnp.float32)
    edge_index = jax.random.randint(k2, (2, N_EDGES), 0, N_NODES, dtype=jnp.int64) if jax.config.jax_enable_x64 else jax.random.randint(k2, (2, N_EDGES), 0, N_NODES).astype(jnp.int32)
    W = jax.random.normal(k3, (D_FEAT, D_FEAT), dtype=jnp.float32) * (1.0 / np.sqrt(D_FEAT))
    return {"x": x, "edge_index": edge_index, "W": W}

def reference(x, edge_index, W):
    # MessageGcn forward (inference path, dropout omitted):
    # 1) get_vertex_features: embedding_lookup of sender node codes (gather)
    sender_idx = edge_index[0]
    receiver_idx = edge_index[1]
    sender_codes = jnp.take(x, sender_idx, axis=0)
    # 2) compute_messages: dot_or_lookup with onehot_input=False -> matmul
    messages = sender_codes @ W
    # 3) sum_messages: scatter-add over receiver indices (segment sum)
    summed = jax.ops.segment_sum(messages, receiver_idx, num_segments=N_NODES)
    # 4) nonlinearity
    out = jax.nn.relu(summed)
    return out

if __name__ == "__main__":
    import jax
    _d = setup_inputs()
    print(jax.jit(kernel)(*tuple(_d.values())))

</pallas_src>

<mosaic_0001>
#map = affine_map<(d0, d1) -> (0, 0)>
#map1 = affine_map<(d0, d1) -> (0)>
#map2 = affine_map<(d0, d1) -> (0, 0, 0)>
module attributes {stable_mosaic.version = 14 : i64} {
  func.func @_sc_kernel_body(%arg0: i32, %arg1: i32, %arg2: memref<10000x128xf32, #tpu.memory_space<hbm>>, %arg3: memref<322560xi32, #tpu.memory_space<hbm>>, %arg4: memref<322560xi32, #tpu.memory_space<hbm>>, %arg5: memref<640x128xf32, #tpu.memory_space<hbm>>, %arg6: memref<2x10240x128xf32, #tpu.memory_space<hbm>>, %arg7: memref<10080xi32, #tpu.memory_space<vmem>>, %arg8: memref<10080xi32, #tpu.memory_space<vmem>>, %arg9: memref<96x128xf32, #tpu.memory_space<vmem>>, %arg10: memref<96x128xf32, #tpu.memory_space<vmem>>, %arg11: memref<!tpu.dma_semaphore, #tpu.memory_space<semaphore_mem>>, %arg12: memref<!tpu.dma_semaphore, #tpu.memory_space<semaphore_mem>>, %arg13: memref<!tpu.dma_semaphore, #tpu.memory_space<semaphore_mem>>, %arg14: memref<10240x128xf32, #tpu.memory_space<vmem_shared>>) attributes {dimension_semantics = [#tpu.dimension_semantics<core_parallel>, #tpu.dimension_semantics<subcore_parallel>], iteration_bounds = array<i64: 2, 16>, scalar_prefetch = 0 : i64, scratch_operands = 8 : i64, tpu.core_type = #tpu.core_type<sc_vector_subcore>, window_params = [{transform_indices = #map}, {transform_indices = #map1}, {transform_indices = #map1}, {transform_indices = #map}, {transform_indices = #map2}]} {
    %mul3A = arith.constant 16 : i32
    %mul3A_0 = arith.muli %arg0, %mul3A : i32
    %add3A = arith.addi %mul3A_0, %arg1 : i32
    %mul3A_1 = arith.constant 640 : i32
    %mul3A_2 = arith.muli %arg1, %mul3A_1 : i32
    %mul3A_3 = arith.constant 10080 : i32
    %mul3A_4 = arith.muli %add3A, %mul3A_3 : i32
    %dma_start3A = arith.constant 0 : i32
    %dma_start3A_5 = tpu.memref_slice %arg14[%mul3A_2, %dma_start3A] : memref<10240x128xf32, #tpu.memory_space<vmem_shared>> -> memref<640x128xf32, #tpu.memory_space<vmem_shared>>
    tpu.enqueue_dma source(%arg5 : memref<640x128xf32, #tpu.memory_space<hbm>>) target(%dma_start3A_5 : memref<640x128xf32, #tpu.memory_space<vmem_shared>>) target_semaphore(%arg13 : memref<!tpu.dma_semaphore, #tpu.memory_space<semaphore_mem>>)
    "tpu.region"() ({
      %run_scoped3A = tpu.sem_alloc : memref<!tpu.dma_semaphore, #tpu.memory_space<semaphore_mem>>
      %dma_start3A_27 = tpu.memref_slice %arg3[%mul3A_4] : memref<322560xi32, #tpu.memory_space<hbm>> -> memref<10080xi32, #tpu.memory_space<hbm>>
      %dma_start3A_28 = tpu.memref_slice %arg3[%mul3A_4] : memref<322560xi32, #tpu.memory_space<hbm>> -> memref<10080xi32, #tpu.memory_space<hbm>>
      tpu.enqueue_dma source(%dma_start3A_28 : memref<10080xi32, #tpu.memory_space<hbm>>) target(%arg7 : memref<10080xi32, #tpu.memory_space<vmem>>) target_semaphore(%run_scoped3A : memref<!tpu.dma_semaphore, #tpu.memory_space<semaphore_mem>>)
      %dma_wait3A_29 = tpu.memref_slice %arg3[%mul3A_4] : memref<322560xi32, #tpu.memory_space<hbm>> -> memref<10080xi32, #tpu.memory_space<hbm>>
      %dma_wait3A_30 = tpu.memref_slice %arg3[%mul3A_4] : memref<322560xi32, #tpu.memory_space<hbm>> -> memref<10080xi32, #tpu.memory_space<hbm>>
      tpu.wait_dma2 semaphore(%run_scoped3A : memref<!tpu.dma_semaphore, #tpu.memory_space<semaphore_mem>>) src(%dma_wait3A_30 : memref<10080xi32, #tpu.memory_space<hbm>>) dst(%arg7 : memref<10080xi32, #tpu.memory_space<vmem>>)
      tpu.yield
    }) : () -> ()
    "tpu.region"() ({
      %run_scoped3A = tpu.sem_alloc : memref<!tpu.dma_semaphore, #tpu.memory_space<semaphore_mem>>
      %dma_start3A_27 = tpu.memref_slice %arg4[%mul3A_4] : memref<322560xi32, #tpu.memory_space<hbm>> -> memref<10080xi32, #tpu.memory_space<hbm>>
      %dma_start3A_28 = tpu.memref_slice %arg4[%mul3A_4] : memref<322560xi32, #tpu.memory_space<hbm>> -> memref<10080xi32, #tpu.memory_space<hbm>>
      tpu.enqueue_dma source(%dma_start3A_28 : memref<10080xi32, #tpu.memory_space<hbm>>) target(%arg8 : memref<10080xi32, #tpu.memory_space<vmem>>) target_semaphore(%run_scoped3A : memref<!tpu.dma_semaphore, #tpu.memory_space<semaphore_mem>>)
      %dma_wait3A_29 = tpu.memref_slice %arg4[%mul3A_4] : memref<322560xi32, #tpu.memory_space<hbm>> -> memref<10080xi32, #tpu.memory_space<hbm>>
      %dma_wait3A_30 = tpu.memref_slice %arg4[%mul3A_4] : memref<322560xi32, #tpu.memory_space<hbm>> -> memref<10080xi32, #tpu.memory_space<hbm>>
      tpu.wait_dma2 semaphore(%run_scoped3A : memref<!tpu.dma_semaphore, #tpu.memory_space<semaphore_mem>>) src(%dma_wait3A_30 : memref<10080xi32, #tpu.memory_space<hbm>>) dst(%arg8 : memref<10080xi32, #tpu.memory_space<vmem>>)
      tpu.yield
    }) : () -> ()
    %dma_start3A_6 = arith.constant 0 : i32
    %dma_start3A_7 = tpu.memref_slice %arg7[%dma_start3A_6] : memref<10080xi32, #tpu.memory_space<vmem>> -> memref<96xi32, #tpu.memory_space<vmem>>
    %dma_start3A_8 = arith.constant 0 : i32
    %dma_start3A_9 = arith.constant 0 : i32
    %dma_start3A_10 = tpu.memref_slice %arg2[%dma_start3A_8, %dma_start3A_9] : memref<10000x128xf32, #tpu.memory_space<hbm>> -> memref<10000x128xf32, #tpu.memory_space<hbm>>
    tpu.enqueue_indirect_dma source(%dma_start3A_10 : memref<10000x128xf32, #tpu.memory_space<hbm>>) target(%arg9 : memref<96x128xf32, #tpu.memory_space<vmem>>) offsets(%dma_start3A_7 : memref<96xi32, #tpu.memory_space<vmem>>) semaphore(%arg11 : memref<!tpu.dma_semaphore, #tpu.memory_space<semaphore_mem>>)
    %dma_start3A_11 = arith.constant 96 : i32
    %dma_start3A_12 = tpu.memref_slice %arg7[%dma_start3A_11] : memref<10080xi32, #tpu.memory_space<vmem>> -> memref<96xi32, #tpu.memory_space<vmem>>
    %dma_start3A_13 = arith.constant 0 : i32
    %dma_start3A_14 = arith.constant 0 : i32
    %dma_start3A_15 = tpu.memref_slice %arg2[%dma_start3A_13, %dma_start3A_14] : memref<10000x128xf32, #tpu.memory_space<hbm>> -> memref<10000x128xf32, #tpu.memory_space<hbm>>
    tpu.enqueue_indirect_dma source(%dma_start3A_15 : memref<10000x128xf32, #tpu.memory_space<hbm>>) target(%arg10 : memref<96x128xf32, #tpu.memory_space<vmem>>) offsets(%dma_start3A_12 : memref<96xi32, #tpu.memory_space<vmem>>) semaphore(%arg12 : memref<!tpu.dma_semaphore, #tpu.memory_space<semaphore_mem>>)
    %dma_wait3A = arith.constant 0 : i32
    %dma_wait3A_16 = tpu.memref_slice %arg14[%mul3A_2, %dma_wait3A] : memref<10240x128xf32, #tpu.memory_space<vmem_shared>> -> memref<640x128xf32, #tpu.memory_space<vmem_shared>>
    tpu.wait_dma2 semaphore(%arg13 : memref<!tpu.dma_semaphore, #tpu.memory_space<semaphore_mem>>) src(%arg5 : memref<640x128xf32, #tpu.memory_space<hbm>>) dst(%dma_wait3A_16 : memref<640x128xf32, #tpu.memory_space<vmem_shared>>)
    %barrier3A = arith.constant 0 : index
    tpu.barrier barrier_id(%barrier3A)
    %scan3A = arith.constant 0 : i32
    %scan3A_17 = arith.constant 52 : i32
    %scan3A_18 = arith.addi %scan3A, %scan3A_17 : i32
    %scan3A_19 = arith.constant 1 : i32
    scf.for %scan3A_27 = %scan3A to %scan3A_18 step %scan3A_19  : i32 {
      %mul3A_28 = arith.constant 2 : i32
      %mul3A_29 = arith.muli %scan3A_27, %mul3A_28 : i32
      %add3A_30 = arith.constant 0 : i32
      %add3A_31 = arith.addi %mul3A_29, %add3A_30 : i32
      %mul3A_32 = arith.constant 96 : i32
      %mul3A_33 = arith.muli %add3A_31, %mul3A_32 : i32
      %dma_wait3A_34 = tpu.memref_slice %arg7[%mul3A_33] : memref<10080xi32, #tpu.memory_space<vmem>> -> memref<96xi32, #tpu.memory_space<vmem>>
      %dma_wait3A_35 = arith.constant 0 : i32
      %dma_wait3A_36 = arith.constant 0 : i32
      %dma_wait3A_37 = tpu.memref_slice %arg2[%dma_wait3A_35, %dma_wait3A_36] : memref<10000x128xf32, #tpu.memory_space<hbm>> -> memref<10000x128xf32, #tpu.memory_space<hbm>>
      tpu.wait_indirect_dma semaphore(%arg11 : memref<!tpu.dma_semaphore, #tpu.memory_space<semaphore_mem>>) src(%dma_wait3A_37 : memref<10000x128xf32, #tpu.memory_space<hbm>>) dst(%arg9 : memref<96x128xf32, #tpu.memory_space<vmem>>)
      %mul3A_38 = arith.constant 96 : i32
      %mul3A_39 = arith.muli %add3A_31, %mul3A_38 : i32
      "tpu.region"() ({
        %run_scoped3A = tpu.sem_alloc : memref<!tpu.dma_semaphore, #tpu.memory_space<semaphore_mem>>
        %dma_start3A_63 = tpu.memref_slice %arg8[%mul3A_39] : memref<10080xi32, #tpu.memory_space<vmem>> -> memref<96xi32, #tpu.memory_space<vmem>>
        %dma_start3A_64 = arith.constant 0 : i32
        %dma_start3A_65 = arith.constant 0 : i32
        %dma_start3A_66 = tpu.memref_slice %arg14[%dma_start3A_64, %dma_start3A_65] : memref<10240x128xf32, #tpu.memory_space<vmem_shared>> -> memref<10240x128xf32, #tpu.memory_space<vmem_shared>>
        tpu.enqueue_indirect_dma source(%arg9 : memref<96x128xf32, #tpu.memory_space<vmem>>) target(%dma_start3A_66 : memref<10240x128xf32, #tpu.memory_space<vmem_shared>>) offsets(%dma_start3A_63 : memref<96xi32, #tpu.memory_space<vmem>>) semaphore(%run_scoped3A : memref<!tpu.dma_semaphore, #tpu.memory_space<semaphore_mem>>) {add = true}
        %dma_wait3A_67 = tpu.memref_slice %arg8[%mul3A_39] : memref<10080xi32, #tpu.memory_space<vmem>> -> memref<96xi32, #tpu.memory_space<vmem>>
        %dma_wait3A_68 = arith.constant 0 : i32
        %dma_wait3A_69 = arith.constant 0 : i32
        %dma_wait3A_70 = tpu.memref_slice %arg14[%dma_wait3A_68, %dma_wait3A_69] : memref<10240x128xf32, #tpu.memory_space<vmem_shared>> -> memref<10240x128xf32, #tpu.memory_space<vmem_shared>>
        tpu.wait_indirect_dma semaphore(%run_scoped3A : memref<!tpu.dma_semaphore, #tpu.memory_space<semaphore_mem>>) src(%arg9 : memref<96x128xf32, #tpu.memory_space<vmem>>) dst(%dma_wait3A_70 : memref<10240x128xf32, #tpu.memory_space<vmem_shared>>)
        tpu.yield
      }) : () -> ()
      %add3A_40 = arith.constant 2 : i32
      %add3A_41 = arith.addi %add3A_31, %add3A_40 : i32
      %lt3A = arith.constant 105 : i32
      %lt3A_42 = arith.cmpi slt, %add3A_41, %lt3A : i32
      %convert_element_type3A = arith.extui %lt3A_42 : i1 to i32
      %cond3A = arith.constant 0 : i32
      %cond3A_43 = arith.cmpi ne, %convert_element_type3A, %cond3A : i32
      scf.if %cond3A_43 {
        %add3A_63 = arith.constant 2 : i32
        %add3A_64 = arith.addi %add3A_31, %add3A_63 : i32
        %mul3A_65 = arith.constant 96 : i32
        %mul3A_66 = arith.muli %add3A_64, %mul3A_65 : i32
        %dma_start3A_67 = tpu.memref_slice %arg7[%mul3A_66] : memref<10080xi32, #tpu.memory_space<vmem>> -> memref<96xi32, #tpu.memory_space<vmem>>
        %dma_start3A_68 = arith.constant 0 : i32
        %dma_start3A_69 = arith.constant 0 : i32
        %dma_start3A_70 = tpu.memref_slice %arg2[%dma_start3A_68, %dma_start3A_69] : memref<10000x128xf32, #tpu.memory_space<hbm>> -> memref<10000x128xf32, #tpu.memory_space<hbm>>
        tpu.enqueue_indirect_dma source(%dma_start3A_70 : memref<10000x128xf32, #tpu.memory_space<hbm>>) target(%arg9 : memref<96x128xf32, #tpu.memory_space<vmem>>) offsets(%dma_start3A_67 : memref<96xi32, #tpu.memory_space<vmem>>) semaphore(%arg11 : memref<!tpu.dma_semaphore, #tpu.memory_space<semaphore_mem>>)
      } else {
      }
      %mul3A_44 = arith.constant 2 : i32
      %mul3A_45 = arith.muli %scan3A_27, %mul3A_44 : i32
      %add3A_46 = arith.constant 1 : i32
      %add3A_47 = arith.addi %mul3A_45, %add3A_46 : i32
      %mul3A_48 = arith.constant 96 : i32
      %mul3A_49 = arith.muli %add3A_47, %mul3A_48 : i32
      %dma_wait3A_50 = tpu.memref_slice %arg7[%mul3A_49] : memref<10080xi32, #tpu.memory_space<vmem>> -> memref<96xi32, #tpu.memory_space<vmem>>
      %dma_wait3A_51 = arith.constant 0 : i32
      %dma_wait3A_52 = arith.constant 0 : i32
      %dma_wait3A_53 = tpu.memref_slice %arg2[%dma_wait3A_51, %dma_wait3A_52] : memref<10000x128xf32, #tpu.memory_space<hbm>> -> memref<10000x128xf32, #tpu.memory_space<hbm>>
      tpu.wait_indirect_dma semaphore(%arg12 : memref<!tpu.dma_semaphore, #tpu.memory_space<semaphore_mem>>) src(%dma_wait3A_53 : memref<10000x128xf32, #tpu.memory_space<hbm>>) dst(%arg10 : memref<96x128xf32, #tpu.memory_space<vmem>>)
      %mul3A_54 = arith.constant 96 : i32
      %mul3A_55 = arith.muli %add3A_47, %mul3A_54 : i32
      "tpu.region"() ({
        %run_scoped3A = tpu.sem_alloc : memref<!tpu.dma_semaphore, #tpu.memory_space<semaphore_mem>>
        %dma_start3A_63 = tpu.memref_slice %arg8[%mul3A_55] : memref<10080xi32, #tpu.memory_space<vmem>> -> memref<96xi32, #tpu.memory_space<vmem>>
        %dma_start3A_64 = arith.constant 0 : i32
        %dma_start3A_65 = arith.constant 0 : i32
        %dma_start3A_66 = tpu.memref_slice %arg14[%dma_start3A_64, %dma_start3A_65] : memref<10240x128xf32, #tpu.memory_space<vmem_shared>> -> memref<10240x128xf32, #tpu.memory_space<vmem_shared>>
        tpu.enqueue_indirect_dma source(%arg10 : memref<96x128xf32, #tpu.memory_space<vmem>>) target(%dma_start3A_66 : memref<10240x128xf32, #tpu.memory_space<vmem_shared>>) offsets(%dma_start3A_63 : memref<96xi32, #tpu.memory_space<vmem>>) semaphore(%run_scoped3A : memref<!tpu.dma_semaphore, #tpu.memory_space<semaphore_mem>>) {add = true}
        %dma_wait3A_67 = tpu.memref_slice %arg8[%mul3A_55] : memref<10080xi32, #tpu.memory_space<vmem>> -> memref<96xi32, #tpu.memory_space<vmem>>
        %dma_wait3A_68 = arith.constant 0 : i32
        %dma_wait3A_69 = arith.constant 0 : i32
        %dma_wait3A_70 = tpu.memref_slice %arg14[%dma_wait3A_68, %dma_wait3A_69] : memref<10240x128xf32, #tpu.memory_space<vmem_shared>> -> memref<10240x128xf32, #tpu.memory_space<vmem_shared>>
        tpu.wait_indirect_dma semaphore(%run_scoped3A : memref<!tpu.dma_semaphore, #tpu.memory_space<semaphore_mem>>) src(%arg10 : memref<96x128xf32, #tpu.memory_space<vmem>>) dst(%dma_wait3A_70 : memref<10240x128xf32, #tpu.memory_space<vmem_shared>>)
        tpu.yield
      }) : () -> ()
      %add3A_56 = arith.constant 2 : i32
      %add3A_57 = arith.addi %add3A_47, %add3A_56 : i32
      %lt3A_58 = arith.constant 105 : i32
      %lt3A_59 = arith.cmpi slt, %add3A_57, %lt3A_58 : i32
      %convert_element_type3A_60 = arith.extui %lt3A_59 : i1 to i32
      %cond3A_61 = arith.constant 0 : i32
      %cond3A_62 = arith.cmpi ne, %convert_element_type3A_60, %cond3A_61 : i32
      scf.if %cond3A_62 {
        %add3A_63 = arith.constant 2 : i32
        %add3A_64 = arith.addi %add3A_47, %add3A_63 : i32
        %mul3A_65 = arith.constant 96 : i32
        %mul3A_66 = arith.muli %add3A_64, %mul3A_65 : i32
        %dma_start3A_67 = tpu.memref_slice %arg7[%mul3A_66] : memref<10080xi32, #tpu.memory_space<vmem>> -> memref<96xi32, #tpu.memory_space<vmem>>
        %dma_start3A_68 = arith.constant 0 : i32
        %dma_start3A_69 = arith.constant 0 : i32
        %dma_start3A_70 = tpu.memref_slice %arg2[%dma_start3A_68, %dma_start3A_69] : memref<10000x128xf32, #tpu.memory_space<hbm>> -> memref<10000x128xf32, #tpu.memory_space<hbm>>
        tpu.enqueue_indirect_dma source(%dma_start3A_70 : memref<10000x128xf32, #tpu.memory_space<hbm>>) target(%arg10 : memref<96x128xf32, #tpu.memory_space<vmem>>) offsets(%dma_start3A_67 : memref<96xi32, #tpu.memory_space<vmem>>) semaphore(%arg12 : memref<!tpu.dma_semaphore, #tpu.memory_space<semaphore_mem>>)
      } else {
      }
    }
    %scan3A_20 = arith.constant 52 : i32
    %dma_wait3A_21 = arith.constant 9984 : i32
    %dma_wait3A_22 = tpu.memref_slice %arg7[%dma_wait3A_21] : memref<10080xi32, #tpu.memory_space<vmem>> -> memref<96xi32, #tpu.memory_space<vmem>>
    %dma_wait3A_23 = arith.constant 0 : i32
    %dma_wait3A_24 = arith.constant 0 : i32
    %dma_wait3A_25 = tpu.memref_slice %arg2[%dma_wait3A_23, %dma_wait3A_24] : memref<10000x128xf32, #tpu.memory_space<hbm>> -> memref<10000x128xf32, #tpu.memory_space<hbm>>
    tpu.wait_indirect_dma semaphore(%arg11 : memref<!tpu.dma_semaphore, #tpu.memory_space<semaphore_mem>>) src(%dma_wait3A_25 : memref<10000x128xf32, #tpu.memory_space<hbm>>) dst(%arg9 : memref<96x128xf32, #tpu.memory_space<vmem>>)
    "tpu.region"() ({
      %run_scoped3A = tpu.sem_alloc : memref<!tpu.dma_semaphore, #tpu.memory_space<semaphore_mem>>
      %dma_start3A_27 = arith.constant 9984 : i32
      %dma_start3A_28 = tpu.memref_slice %arg8[%dma_start3A_27] : memref<10080xi32, #tpu.memory_space<vmem>> -> memref<96xi32, #tpu.memory_space<vmem>>
      %dma_start3A_29 = arith.constant 0 : i32
      %dma_start3A_30 = arith.constant 0 : i32
      %dma_start3A_31 = tpu.memref_slice %arg14[%dma_start3A_29, %dma_start3A_30] : memref<10240x128xf32, #tpu.memory_space<vmem_shared>> -> memref<10240x128xf32, #tpu.memory_space<vmem_shared>>
      tpu.enqueue_indirect_dma source(%arg9 : memref<96x128xf32, #tpu.memory_space<vmem>>) target(%dma_start3A_31 : memref<10240x128xf32, #tpu.memory_space<vmem_shared>>) offsets(%dma_start3A_28 : memref<96xi32, #tpu.memory_space<vmem>>) semaphore(%run_scoped3A : memref<!tpu.dma_semaphore, #tpu.memory_space<semaphore_mem>>) {add = true}
      %dma_wait3A_32 = arith.constant 9984 : i32
      %dma_wait3A_33 = tpu.memref_slice %arg8[%dma_wait3A_32] : memref<10080xi32, #tpu.memory_space<vmem>> -> memref<96xi32, #tpu.memory_space<vmem>>
      %dma_wait3A_34 = arith.constant 0 : i32
      %dma_wait3A_35 = arith.constant 0 : i32
      %dma_wait3A_36 = tpu.memref_slice %arg14[%dma_wait3A_34, %dma_wait3A_35] : memref<10240x128xf32, #tpu.memory_space<vmem_shared>> -> memref<10240x128xf32, #tpu.memory_space<vmem_shared>>
      tpu.wait_indirect_dma semaphore(%run_scoped3A : memref<!tpu.dma_semaphore, #tpu.memory_space<semaphore_mem>>) src(%arg9 : memref<96x128xf32, #tpu.memory_space<vmem>>) dst(%dma_wait3A_36 : memref<10240x128xf32, #tpu.memory_space<vmem_shared>>)
      tpu.yield
    }) : () -> ()
    %barrier3A_26 = arith.constant 0 : index
    tpu.barrier barrier_id(%barrier3A_26)
    "tpu.region"() ({
      %run_scoped3A = tpu.sem_alloc : memref<!tpu.dma_semaphore, #tpu.memory_space<semaphore_mem>>
      %dma_start3A_27 = arith.constant 0 : i32
      %dma_start3A_28 = tpu.memref_slice %arg6[%arg0, %mul3A_2, %dma_start3A_27] : memref<2x10240x128xf32, #tpu.memory_space<hbm>> -> memref<1x640x128xf32, #tpu.memory_space<hbm>>
      %dma_start3A_29 = tpu.memref_squeeze %dma_start3A_28 : memref<1x640x128xf32, #tpu.memory_space<hbm>> -> memref<640x128xf32, #tpu.memory_space<hbm>>
      %dma_start3A_30 = arith.constant 0 : i32
      %dma_start3A_31 = tpu.memref_slice %arg14[%mul3A_2, %dma_start3A_30] : memref<10240x128xf32, #tpu.memory_space<vmem_shared>> -> memref<640x128xf32, #tpu.memory_space<vmem_shared>>
      tpu.enqueue_dma source(%dma_start3A_31 : memref<640x128xf32, #tpu.memory_space<vmem_shared>>) target(%dma_start3A_29 : memref<640x128xf32, #tpu.memory_space<hbm>>) target_semaphore(%run_scoped3A : memref<!tpu.dma_semaphore, #tpu.memory_space<semaphore_mem>>)
      %dma_wait3A_32 = arith.constant 0 : i32
      %dma_wait3A_33 = tpu.memref_slice %arg6[%arg0, %mul3A_2, %dma_wait3A_32] : memref<2x10240x128xf32, #tpu.memory_space<hbm>> -> memref<1x640x128xf32, #tpu.memory_space<hbm>>
      %dma_wait3A_34 = tpu.memref_squeeze %dma_wait3A_33 : memref<1x640x128xf32, #tpu.memory_space<hbm>> -> memref<640x128xf32, #tpu.memory_space<hbm>>
      %dma_wait3A_35 = arith.constant 0 : i32
      %dma_wait3A_36 = tpu.memref_slice %arg14[%mul3A_2, %dma_wait3A_35] : memref<10240x128xf32, #tpu.memory_space<vmem_shared>> -> memref<640x128xf32, #tpu.memory_space<vmem_shared>>
      tpu.wait_dma2 semaphore(%run_scoped3A : memref<!tpu.dma_semaphore, #tpu.memory_space<semaphore_mem>>) src(%dma_wait3A_36 : memref<640x128xf32, #tpu.memory_space<vmem_shared>>) dst(%dma_wait3A_34 : memref<640x128xf32, #tpu.memory_space<hbm>>)
      tpu.yield
    }) : () -> ()
    return
  }
}

module attributes {stable_mosaic.version = 14 : i64} {
  func.func @_tc_kernel_body(%arg0: i32, %arg1: memref<2x1000x128xf32, #tpu.memory_space<vmem>>, %arg2: memref<128x128xf32, #tpu.memory_space<vmem>>, %arg3: memref<1000x128xf32, #tpu.memory_space<vmem>>) attributes {dimension_semantics = [#tpu.dimension_semantics<arbitrary>], iteration_bounds = array<i64: 10>, scalar_prefetch = 0 : i64, scratch_operands = 0 : i64, tpu.core_type = #tpu.core_type<tc>, window_params = [{transform_indices = @transform_0, window_bounds = array<i64: 2, 1000, 128>}, {pipeline_mode = #tpu.pipeline_mode<synchronous>, transform_indices = @transform_1, window_bounds = array<i64: 128, 128>}, {transform_indices = @transform_2, window_bounds = array<i64: 1000, 128>}]} {
    %get3A = arith.constant 0 : index
    %get3A_0 = arith.constant 0 : index
    %get3A_1 = arith.constant 0 : index
    %get3A_2 = vector.load %arg1[%get3A, %get3A_0, %get3A_1] : memref<2x1000x128xf32, #tpu.memory_space<vmem>>, vector<1x1000x128xf32>
    %get3A_3 = vector.shape_cast %get3A_2 : vector<1x1000x128xf32> to vector<1000x128xf32>
    %get3A_4 = arith.constant 1 : index
    %get3A_5 = arith.constant 0 : index
    %get3A_6 = arith.constant 0 : index
    %get3A_7 = vector.load %arg1[%get3A_4, %get3A_5, %get3A_6] : memref<2x1000x128xf32, #tpu.memory_space<vmem>>, vector<1x1000x128xf32>
    %get3A_8 = vector.shape_cast %get3A_7 : vector<1x1000x128xf32> to vector<1000x128xf32>
    %add3A = arith.addf %get3A_3, %get3A_8 : vector<1000x128xf32>
    %get3A_9 = arith.constant 0 : index
    %get3A_10 = arith.constant 0 : index
    %get3A_11 = vector.load %arg2[%get3A_9, %get3A_10] : memref<128x128xf32, #tpu.memory_space<vmem>>, vector<128x128xf32>
    %dot_general3A = arith.constant dense<0.000000e+00> : vector<1000x128xf32>
    %dot_general3A_12 = tpu.matmul %add3A, %get3A_11, %dot_general3A {dimension_numbers = #tpu.dot_dimension_numbers<[1], [0], [0], [1], [0, 0, 1, 1], [], []>, transpose_lhs_hint = false} : vector<1000x128xf32>, vector<128x128xf32>, vector<1000x128xf32> -> vector<1000x128xf32>
    %max3A = arith.constant 0.000000e+00 : f32
    %max3A_13 = vector.broadcast %max3A : f32 to vector<1000x128xf32>
    %max3A_14 = arith.maximumf %dot_general3A_12, %max3A_13 : vector<1000x128xf32>
    %swap3A = arith.constant 0 : index
    %swap3A_15 = arith.constant 0 : index
    %swap3A_16 = vector.load %arg3[%swap3A, %swap3A_15] : memref<1000x128xf32, #tpu.memory_space<vmem>>, vector<1000x128xf32>
    tpu.vector_store %arg3[%swap3A, %swap3A_15], %max3A_14 {strides = array<i32>} : memref<1000x128xf32, #tpu.memory_space<vmem>>, vector<1000x128xf32>,
    return
  }
  func.func @transform_0(%arg0: i32) -> (i32, i32, i32) {
    %c0_i32 = arith.constant 0 : i32
    %c0_i32_0 = arith.constant 0 : i32
    %c0_i32_1 = arith.constant 0 : i32
    return %c0_i32, %arg0, %c0_i32_0 : i32, i32, i32
  }
  func.func @transform_1(%arg0: i32) -> (i32, i32) {
    %c0_i32 = arith.constant 0 : i32
    %c0_i32_0 = arith.constant 0 : i32
    %c0_i32_1 = arith.constant 0 : i32
    return %c0_i32, %c0_i32_0 : i32, i32
  }
  func.func @transform_2(%arg0: i32) -> (i32, i32) {
    %c0_i32 = arith.constant 0 : i32
    %c0_i32_0 = arith.constant 0 : i32
    return %arg0, %c0_i32 : i32, i32
  }
}

</mosaic_0001>

<sc_bundles>
// kernel: kernel.4.cloned.1.call-start
scs
__scs_entry_jumppad:
0x0: {  	(pc) =	sbr.rel $0x88, $3  }
0x1: {  	(tag) =	ssettag $0x0;
	lr =	simm.s32 $0x1  }
0x2: {  	[smem:$0x3F9E] =	sst lr;
	_ =	strace $0xD0000000  }
0x3: {  	_ = 	snop  }
0x4: {  	_ = 	snop  }
0x5: {  	_ = 	snop  }
0x6: {  	_ = 	snop  }
0x7: {  	_ = 	snop  }
__scs_overlays_trampoline_lowered:
0x8: {  	[smem:$0x3FAD] =	sst s0  }
0x9: {  	[smem:$0x3FAE] =	sst s1  }
0xa: {  	[smem:$0x3FAF] =	sst s2  }
0xb: {  	[smem:$0x3FB0] =	sst s3  }
0xc: {  	[smem:$0x3FB1] =	sst s4  }
0xd: {  	[smem:$0x3FB2] =	sst s5  }
0xe: {  	[smem:$0x3FB3] =	sst s6  }
0xf: {  	[smem:$0x3FB4] =	sst s7  }
0x10: {  	[smem:$0x3FB5] =	sst s8  }
0x11: {  	[smem:$0x3FB6] =	sst s9;
	s0 =	simm.s32 @!p0 $0x0  }
0x12: {  	s1 =	sld [smem:$0x3F9C];
	s0 =	simm.s32 @p0 $0x1  }
0x13: {  	[smem:$0x3FB7] =	sst s0;
	s0 =	simm.s32 @!p1 $0x0  }
0x14: {  	s2 =	sld [smem:$0x3F9B];
	s0 =	simm.s32 @p1 $0x1  }
0x15: {  	[smem:$0x3FB8] =	sst s0;
	s0 =	simm.s32 @!p2 $0x0  }
0x16: {  	s3 =	sld [smem:$0x3FDB];
	s0 =	simm.s32 @p2 $0x1  }
0x17: {  	s4 =	simm.s32 $0x1BF5;
	[smem:$0x3FBA] =	sst s0  }
0x18: {  	s0 =	sld [smem:$0x3F9D];
	_ =	swait.ge [sflag:s4], $0x0  }
0x19: {  	s7 =	sld [smem:$0x3F9E]  }
0x1a: {  	s8 =	sadd.s32 $0xFFFFE003, lr  }
0x1b: {  	s9 =	sadd.s32 $0xFFFFFEF7, lr;
	s5 =	simm.s32 $0xFFFFFFFF;
	p2 =	slt.u32 s8, $0xFFFFF086  }
0x1c: {  	p1 =	slt.u32 s9, $0xF7A;
	s5 =	simm.s32 @!p2 $0x0  }
0x1d: {  	s5 =	simm.s32 @p1 $0x1;
	p0 =	seq.s32 s7, s2  }
0x1e: {  	s7 =	smul.u32 @!p0 $0xF7A, s2;
	p2 =	seq.s32 @!p0 s5, $0x0  }
0x1f: {  	s9 =	smul.u32 $0xF7A, s1;
	s8 =	simm.s32 @!p0 $0x1BF5;
	p2 =	por !p2, p0  }
0x20: {  	[sflag:s8] =	ssyncset.s32 @!p0 $0xFFFFF086;
	s6 =	sadd.s32 @!p0 s3, s7;
	s7 =	simm.s32 @!p0 $0x108  }
0x21: {  	s3 =	sadd.s32 s3, s9;
	s6 =	sadd.s32 @!p0 $0x88, s6;
	s7 =	simm.s32 @p2 $0x1082  }
0x22: {  	[simem:s7], [sflag:s8] =	dma.local @!p0 [hbm:s6], $0xF7A  }
0x23: {  	s9 =	sor.u32 $0xD0000000, s2;
	s6 =	simm.s32 $0x108;
	_ =	swait.ge @!p0 [sflag:s8], $0x0  }
0x24: {  	s3 =	sadd.s32 $0x88, s3;
	s6 =	simm.s32 @!p1 $0x1082;
	[sflag:s4] =	ssyncset.s32 $0xFFFFF086  }
0x25: {  	[simem:s6], [sflag:s4] =	dma.local [hbm:s3], $0xF7A  }
0x26: {  	[smem:$0x3F9E] =	sst s1;
	(tag) =	ssettag s2;
	_ =	strace s9  }
0x27: {  	s1 =	sld [smem:$0x3FAE]  }
0x28: {  	s2 =	sld [smem:$0x3FAF]  }
0x29: {  	s4 =	sld [smem:$0x3FB1]  }
0x2a: {  	p0 =	seq.s32 s5, $0x0;
	s5 =	sld [smem:$0x3FB2]  }
0x2b: {  	s6 =	sld [smem:$0x3FB3]  }
0x2c: {  	s7 =	sld [smem:$0x3FB4]  }
0x2d: {  	s3 =	simm.s32 $0x108;
	s8 =	sld [smem:$0x3FB5]  }
0x2e: {  	s3 =	simm.s32 @!p0 $0x1082;
	s9 =	sld [smem:$0x3FB6]  }
0x2f: {  	lr =	sadd.s32 s0, s3;
	s0 =	sld [smem:$0x3FAD]  }
0x30: {  	s3 =	sld [smem:$0x3FB0]  }
0x31: {  	[smem:$0x3FB9] =	sst s10  }
0x32: {  	s10 =	sld [smem:$0x3FB7];
	_ =	sdelay $0x3  }
0x33: {  	p0 =	seq.s32 s10, $0x1;
	s10 =	sld [smem:$0x3FB9];
	_ =	sdelay $0x3  }
0x34: {  	[smem:$0x3FB9] =	sst s10  }
0x35: {  	s10 =	sld [smem:$0x3FB8];
	_ =	sdelay $0x3  }
0x36: {  	p1 =	seq.s32 s10, $0x1;
	s10 =	sld [smem:$0x3FB9];
	_ =	sdelay $0x3  }
0x37: {  	[smem:$0x3FB9] =	sst s10  }
0x38: {  	s10 =	sld [smem:$0x3FBA]  }
0x39: {  	_ = 	snop;
	(pc) =	sbr.ind lr, $3  }
0x3a: {  	_ = 	snop  }
0x3b: {  	_ = 	snop  }
0x3c: {  	p2 =	seq.s32 s10, $0x1;
	s10 =	sld [smem:$0x3FB9]  }
0x3d: {  	_ =	shalt  }
0x3e: {  	_ =	shalt  }
0x3f: {  	_ =	shalt  }
0x40: {  	_ =	shalt  }
0x41: {  	_ =	shalt  }
0x42: {  	_ =	shalt  }
0x43: {  	_ =	shalt  }
0x44: {  	_ =	shalt  }
0x45: {  	_ =	shalt  }
0x46: {  	_ =	shalt  }
0x47: {  	_ =	shalt  }
0x48: {  	_ =	shalt  }
0x49: {  	_ =	shalt  }
0x4a: {  	_ =	shalt  }
0x4b: {  	_ =	shalt  }
0x4c: {  	_ =	shalt  }
0x4d: {  	_ =	shalt  }
0x4e: {  	_ =	shalt  }
0x4f: {  	_ =	shalt  }
0x50: {  	_ =	shalt  }
0x51: {  	_ =	shalt  }
0x52: {  	_ =	shalt  }
0x53: {  	_ =	shalt  }
0x54: {  	_ =	shalt  }
0x55: {  	_ =	shalt  }
0x56: {  	_ =	shalt  }
0x57: {  	_ =	shalt  }
0x58: {  	_ =	shalt  }
0x59: {  	_ =	shalt  }
0x5a: {  	_ =	shalt  }
0x5b: {  	_ =	shalt  }
0x5c: {  	_ =	shalt  }
0x5d: {  	_ =	shalt  }
0x5e: {  	_ =	shalt  }
0x5f: {  	_ =	shalt  }
0x60: {  	_ =	shalt  }
0x61: {  	_ =	shalt  }
0x62: {  	_ =	shalt  }
0x63: {  	_ =	shalt  }
0x64: {  	_ =	shalt  }
0x65: {  	_ =	shalt  }
0x66: {  	_ =	shalt  }
0x67: {  	_ =	shalt  }
0x68: {  	_ =	shalt  }
0x69: {  	_ =	shalt  }
0x6a: {  	_ =	shalt  }
0x6b: {  	_ =	shalt  }
0x6c: {  	_ =	shalt  }
0x6d: {  	_ =	shalt  }
0x6e: {  	_ =	shalt  }
0x6f: {  	_ =	shalt  }
0x70: {  	_ =	shalt  }
0x71: {  	_ =	shalt  }
0x72: {  	_ =	shalt  }
0x73: {  	_ =	shalt  }
0x74: {  	_ =	shalt  }
0x75: {  	_ =	shalt  }
0x76: {  	_ =	shalt  }
0x77: {  	_ =	shalt  }
0x78: {  	_ =	shalt  }
0x79: {  	_ =	shalt  }
0x7a: {  	_ =	shalt  }
0x7b: {  	_ =	shalt  }
0x7c: {  	_ =	shalt  }
0x7d: {  	_ =	shalt  }
0x7e: {  	_ =	shalt  }
0x7f: {  	_ =	shalt  }
0x80: {  	_ =	shalt  }
0x81: {  	_ =	shalt  }
0x82: {  	_ =	shalt  }
0x83: {  	_ =	shalt  }
0x84: {  	_ =	shalt  }
0x85: {  	_ =	shalt  }
0x86: {  	_ =	shalt  }
0x87: {  	_ =	shalt  }
.Lfunc_end0:
.L_simem_size_0:
called_computation_lowered:
.L_overlay_start_0:
0x88: {  	s2 =	sld [smem:$0x3FD9]  }
0x89: {  	s3 =	sld [smem:$0x3FFE];
	_ =	sdelay $0x1  }
0x8a: {  	s1 =	srdreg.scid  }
0x8b: {  	s0 =	sand.u32 $0x1, s1  }
0x8c: {  	s17 =	sshll.u32 s0, $0xA;
	s2 =	sadd.s32 s3, s2  }
0x8d: {  	s2 =	sadd.s32 s2, s17  }
0x8e: {  	[smem:$0x3FC5] =	sst s2  }
0x8f: {  	_ = 	snop  }
0x90: {  	s2 =	sld [smem:$0x3FC9]  }
0x91: {  	s18 =	sld [smem:$0x3FD0];
	(tm) =	ssettm $0x1  }
0x92: {  	s4 =	sld [smem:$0x3FFB];
	_ =	sdelay $0x3  }
0x93: {  	_ =	strace s4  }
0x94: {  	s4 =	sld [smem:$0x3FFC];
	_ =	sdelay $0x3  }
0x95: {  	_ =	strace s4  }
0x96: {  	s4 =	sld [smem:$0x3FFD];
	_ =	sdelay $0x3  }
0x97: {  	_ =	strace s4  }
0x98: {  	_ =	strace $0x8FFFFFFF  }
0x99: {  	s19 =	sld [smem:$0x3FDB];
	_ =	sdelay $0x1  }
0x9a: {  	s5 =	simm.s32 $_scs_section_size  }
0x9b: {  	s6 =	simm.s32 $_size__tile_overlayer_lowered;
	s7 =	simm.s32 $_tile_overlayer_lowered  }
0x9c: {  	s22 =	simm.s32 $0x1BFF;
	s21 =	sshll.u32 s7, $0x1;
	s4 =	sadd.s32 s5, s19  }
0x9d: {  	s8 =	simm.s32 $0x0;
	s20 =	sshll.u32 s6, $0x1;
	s6 =	sadd.s32 s21, s4  }
0x9e: {  	[timem:s8], [sflag:s22] =	dma.local [hbm:s6], s20  }
0x9f: {  	_ =	swait.ge [sflag:s22], s20  }
0xa0: {  	s5 =	ssub.s32 $0x0, s20;
	[sflag:s22] =	ssyncset.done $0x0  }
0xa1: {  	[sflag:s22] =	ssyncadd.s32 s5;
	_ =	sdelay $0x1  }
0xa2: {  	s23 =	simm.s32 $0x1B8B  }
0xa3: {  	_ =	swait.ge [sflag:s23], $0x1  }
0xa4: {  	[sflag:s23] =	ssyncset.done $0x0  }
0xa5: {  	s25 =	simm.s32 $0x1B8E;
	s24 =	sld [smem:$0x3FFE];
	[sflag:s23] =	ssyncadd.s32 $0xFFFFFFFF  }
0xa6: {  	s26 =	simm.s32 $execute0_lowered;
	[smem:$0x3FD2] =	sst s25  }
0xa7: {  	s6 =	sshll.u32 s26, $0x1;
	_ =	strace $0x80000046;
	[dreg:$0x1] =	wrdreg $0xFFFFFFFF  }
0xa8: {  	s28 =	simm.s32 $_size_execute0_lowered;
	s4 =	sadd.s32 s4, s6;
	[dreg:$0x0] =	wrdreg $0x0  }
0xa9: {  	s6 =	sshll.u32 s28, $0x1;
	[dreg:$0x2] =	wrdreg s4  }
0xaa: {  	[dreg:$0x3] =	wrdreg s6  }
0xab: {  	[dreg:$0x4] =	wrdreg $0xC0  }
0xac: {  	_ =	task [dreg:s8], $0x5FFFF  }
0xad: {  	[dreg:$0x1] =	wrdreg $0xFFFFFFFF  }
0xae: {  	[dreg:$0x0] =	wrdreg $0x60  }
0xaf: {  	[dreg:$0x2] =	wrdreg s2  }
0xb0: {  	[dreg:$0x3] =	wrdreg s18  }
0xb1: {  	[dreg:$0x4] =	wrdreg s24  }
0xb2: {  	[dreg:$0x5] =	wrdreg $0xAF000  }
0xb3: {  	[dreg:$0x6] =	wrdreg $0x9  }
0xb4: {  	_ =	task.clear_ibuf [dreg:s8], $0x7FFFF;
	_ =	strace $0x90000046  }
0xb5: {  	s29 =	simm.s32 $0x9;
	_ =	strace $0x80000048  }
0xb6: {  	_ =	swait.ge [sflag:s29], $0x1  }
0xb7: {  	[sflag:s29] =	ssyncadd.s32 $0xFFFFFFFF  }
0xb8: {  	_ =	strace $0x90000048  }
0xb9: {  	_ =	sfence  }
0xba: {  	s30 =	sld [smem:$0x0];
	_ =	sdelay $0x2  }
0xbb: {  	s31 =	sshll.u32 s1, $0xD;
	s1 =	sshrl.u32 s1, $0x2  }
0xbc: {  	s3 =	sand.u32 $0x4000, s31;
	s1 =	sadd.s32 s1, s30  }
0xbd: {  	s0 =	sor.u32 s3, s0;
	s1 =	sshll.u32 s1, $0x11  }
0xbe: {  	s0 =	sor.u32 s1, s0  }
0xbf: {  	s0 =	sadd.s32 $0x8F2B, s0  }
0xc0: {  	[sflag:s0] =	ssyncadd.remote.s32 $0x1  }
0xc1: {  	_ =	sfence.sel $0xFFFF  }
0xc2: {  	[dreg:$0x0] =	wrdreg $0xFFFFFFFF;
	(pc) =	sbr.abs _section_cstart, $3  }
0xc3: {  	[dreg:$0x1] =	wrdreg $0xFFFFFFFF  }
0xc4: {  	_ =	task.clear_ibuf [dreg:s8], $0x2FFFF;
	_ =	strace $0x9FFFFFFF  }
0xc5: {  	(tm) =	ssettm $0x7FFFFFFF  }
tec
execute0_lowered:
.L_overlay_start_1:
0x0: {  	(tag) =	ssettag $0x1  }
0x1: {  	s0 =	rddreg [dreg:$0x0]  }
0x2: {  	s7 =	rddreg [dreg:$0x1]  }
0x3: {  	s8 =	rddreg [dreg:$0x2]  }
0x4: {  	s1 =	srdreg.scid;
	s3 =	rddreg [dreg:$0x3]  }
0x5: {  	s2 =	stileid.u32;
	s4 =	simm.s32 $0x0;
	s13 =	simm.s32 $0x2780  }
0x6: {  	s14 =	simm.s32 $0x60;
	s15 =	simm.s32 $0x4F00;
	s16 =	simm.s32 $0x7F00  }
0x7: {  	s17 =	simm.s32 $0x3;
	s18 =	simm.s32 $0x1;
	s19 =	simm.s32 $0x2  }
0x8: {  	s20 =	simm.s32 $0x4DC0;
	s21 =	simm.s32 $0x2700;
	s22 =	simm.s32 $0x4E20  }
0x9: {  	s23 =	simm.s32 $0x4E80;
	s25 =	simm.s32 $0x0;
	s9 =	smul.u32 $0x14000, s2  }
0xa: {  	s6 =	sand.u32 $0x1, s1;
	s1 =	rddreg [dreg:$0x4];
	s11 =	smul.u32 $0x50000, s2  }
0xb: {  	[smem:$0x7FF] =	sst s4;
	s24 =	sshll.u32 s2, $0x6;
	s5 =	smul.u32 $0x140000, s6  }
0xc: {  	_ =	strace $0x80000047;
	s10 =	sshll.u32 s6, $0x4;
	s6 =	ssub.s32 $0x2, s6  }
0xd: {  	s10 =	sor.u32 s2, s10;
	s12 =	sshrl.u32 s6, $0x1;
	s31 =	sshrl.u32 s11, $0x2  }
0xe: {  	s9 =	sadd.s32 s9, s5;
	s5 =	sadd.s32 $0x9E00, s8;
	s10 =	smul.u32 $0x4EC, s10  }
0xf: {  	s12 =	ssub.s32 s6, s12;
	s11 =	sadd.s32 s31, s3;
	s6 =	sor.u32 $0x1C03, s24  }
0x10: {  	s24 =	sor.u32 $0x1C04, s24;
	s9 =	sshrl.u32 s9, $0x3;
	s11 =	sshrl.u32 s11, $0x3  }
0x11: {  	s9 =	sadd.s32 s9, s8;
	s7 =	sadd.s32 s7, s10;
	s8 =	sadd.s32 s8, s10  }
0x12: {  	s10 =	smax.u32 s12, $0x1;
	s12 =	simm.s32 $0x4;
	s9 =	sadd.s32 $0xC600, s9  }
.LBB2_1:
0x13: {  	[spmem:s11], [sflag:s6] =	dma.local [hbm:s5], $0x2800  }
0x14: {  	[tilespmem:s4], [sflag:$0x4] =	stream.linear.gather [hbm4b:s7+s4], $0x2760, $0x38;
	[tilespmem:$0x1EF00] =	vst v63  }
0x15: {  	_ =	swait.ge [sflag:s12], $0x2760  }
0x16: {  	[sflag:s12] =	ssyncset.done $0x0  }
0x17: {  	[sflag:s12] =	ssyncadd.s32 $0xFFFFD8A0  }
0x18: {  	[tilespmem:s13], [sflag:$0x4] =	stream.linear.gather [hbm4b:s8+s4], $0x2760, $0x38;
	[tilespmem:$0x1EF00] =	vst v63  }
0x19: {  	_ =	swait.ge [sflag:s12], $0x2760  }
0x1a: {  	[sflag:s12] =	ssyncset.done $0x0  }
0x1b: {  	[sflag:s12] =	ssyncadd.s32 $0xFFFFD8A0  }
0x1c: {  	[tilespmem:s15], [sflag:$0x1] =	stream.indirect.gather [hbm4b:s0+s14], $0x80, s4, s14, $0xb8;
	[tilespmem:$0x1EF00] =	vst v63  }
0x1d: {  	_ = 	snop  }
0x1e: {  	[tilespmem:s16], [sflag:$0x2] =	stream.indirect.gather [hbm4b:s0+s14], $0x80, s14, s14, $0xb8;
	[tilespmem:$0x1EF00] =	vst v63  }
0x1f: {  	_ =	swait.ge [sflag:s17], $0x2800  }
0x20: {  	[sflag:s17] =	ssyncset.done $0x0  }
0x21: {  	[sflag:s17] =	ssyncadd.s32 $0xFFFFD800  }
0x22: {  	[bflag:$0x0] =	sbarrier.arrive $0xFFFF  }
0x23: {  	_ =	swait.ge [sflag:s18], $0x3000  }
0x24: {  	[sflag:s18] =	ssyncset.done $0x0  }
0x25: {  	s26 =	simm.s32 $0x2780;
	[sflag:s18] =	ssyncadd.s32 $0xFFFFD000  }
0x26: {  	[spmem:s3] =	stream.indirect.scatter.add.f32 [tilespmem:s15], [sflag:$0x4], $0x80, s26, s14, $0xb8;
	[tilespmem:$0x1EF00] =	vst v63  }
0x27: {  	_ =	swait.ge [sflag:s12], $0x3000  }
0x28: {  	[sflag:s12] =	ssyncset.done $0x0  }
0x29: {  	s30 =	simm.s32 $0xC0;
	[sflag:s12] =	ssyncadd.s32 $0xFFFFD000  }
0x2a: {  	[tilespmem:s15], [sflag:$0x1] =	stream.indirect.gather [hbm4b:s0+s14], $0x80, s30, s14, $0xb8;
	[tilespmem:$0x1EF00] =	vst v63  }
0x2b: {  	_ =	swait.ge [sflag:s19], $0x3000  }
0x2c: {  	[sflag:s19] =	ssyncset.done $0x0  }
0x2d: {  	s31 =	simm.s32 $0x27E0;
	[sflag:s19] =	ssyncadd.s32 $0xFFFFD000  }
0x2e: {  	[spmem:s3] =	stream.indirect.scatter.add.f32 [tilespmem:s16], [sflag:$0x4], $0x80, s31, s14, $0xb8;
	[tilespmem:$0x1EF00] =	vst v63  }
0x2f: {  	_ =	swait.ge [sflag:s12], $0x3000  }
0x30: {  	[sflag:s12] =	ssyncset.done $0x0  }
0x31: {  	s28 =	simm.s32 $0x120;
	s26 =	simm.s32 $0x300;
	[sflag:s12] =	ssyncadd.s32 $0xFFFFD000  }
.LBB2_2:
0x32: {  	[tilespmem:s16], [sflag:$0x2] =	stream.indirect.gather [hbm4b:s0+s14], $0x80, s28, s14, $0xb8;
	[tilespmem:$0x1EF00] =	vst v63  }
0x33: {  	s28 =	smov.u32 s26  }
0x34: {  	p0 =	sne.s32 s26, $0x9600;
	s26 =	sadd.s32 $0x300, s26;
	_ =	swait.ge [sflag:s18], $0x3000  }
0x35: {  	s28 =	sshra.s32 s28, $0x2;
	[sflag:s18] =	ssyncset.done $0x0  }
0x36: {  	s29 =	sadd.s32 $0x2780, s28;
	[sflag:s18] =	ssyncadd.s32 $0xFFFFD000  }
0x37: {  	[spmem:s3] =	stream.indirect.scatter.add.f32 [tilespmem:s15], [sflag:$0x4], $0x80, s29, s14, $0xb8;
	[tilespmem:$0x1EF00] =	vst v63  }
0x38: {  	_ =	swait.ge [sflag:s12], $0x3000  }
0x39: {  	[sflag:s12] =	ssyncset.done $0x0  }
0x3a: {  	s29 =	sadd.s32 $0xC0, s28;
	[sflag:s12] =	ssyncadd.s32 $0xFFFFD000  }
0x3b: {  	[tilespmem:s15], [sflag:$0x1] =	stream.indirect.gather [hbm4b:s0+s14], $0x80, s29, s14, $0xb8;
	[tilespmem:$0x1EF00] =	vst v63  }
0x3c: {  	_ =	swait.ge [sflag:s19], $0x3000  }
0x3d: {  	[sflag:s19] =	ssyncset.done $0x0  }
.Ltmp0:
0x3e: {  	s29 =	sadd.s32 $0x27E0, s28;
	[sflag:s19] =	ssyncadd.s32 $0xFFFFD000;
	(pc) =	sbr.rel @p0 .LBB2_2-.Ltmp0, $4  }
0x3f: {  	[spmem:s3] =	stream.indirect.scatter.add.f32 [tilespmem:s16], [sflag:$0x4], $0x80, s29, s14, $0xb8;
	[tilespmem:$0x1EF00] =	vst v63  }
0x40: {  	_ =	swait.ge [sflag:s12], $0x3000  }
0x41: {  	[sflag:s12] =	ssyncset.done $0x0  }
0x42: {  	s28 =	sadd.s32 $0x120, s28;
	[sflag:s12] =	ssyncadd.s32 $0xFFFFD000  }
0x43: {  	[tilespmem:s16], [sflag:$0x2] =	stream.indirect.gather [hbm4b:s0+s14], $0x80, s28, s14, $0xb8;
	[tilespmem:$0x1EF00] =	vst v63  }
0x44: {  	_ =	swait.ge [sflag:s18], $0x3000  }
0x45: {  	[sflag:s18] =	ssyncset.done $0x0  }
0x46: {  	[sflag:s18] =	ssyncadd.s32 $0xFFFFD000  }
0x47: {  	[spmem:s3] =	stream.indirect.scatter.add.f32 [tilespmem:s15], [sflag:$0x4], $0x80, s20, s14, $0xb8;
	[tilespmem:$0x1EF00] =	vst v63  }
0x48: {  	_ =	swait.ge [sflag:s12], $0x3000  }
0x49: {  	[sflag:s12] =	ssyncset.done $0x0  }
0x4a: {  	[sflag:s12] =	ssyncadd.s32 $0xFFFFD000  }
0x4b: {  	[tilespmem:s15], [sflag:$0x1] =	stream.indirect.gather [hbm4b:s0+s14], $0x80, s21, s14, $0xb8;
	[tilespmem:$0x1EF00] =	vst v63  }
0x4c: {  	_ =	swait.ge [sflag:s19], $0x3000  }
0x4d: {  	[sflag:s19] =	ssyncset.done $0x0  }
0x4e: {  	[sflag:s19] =	ssyncadd.s32 $0xFFFFD000  }
0x4f: {  	[spmem:s3] =	stream.indirect.scatter.add.f32 [tilespmem:s16], [sflag:$0x4], $0x80, s22, s14, $0xb8;
	[tilespmem:$0x1EF00] =	vst v63  }
0x50: {  	_ =	swait.ge [sflag:s12], $0x3000  }
0x51: {  	[sflag:s12] =	ssyncset.done $0x0  }
0x52: {  	[sflag:s12] =	ssyncadd.s32 $0xFFFFD000  }
0x53: {  	_ =	swait.ge [sflag:s18], $0x3000  }
0x54: {  	[sflag:s18] =	ssyncset.done $0x0  }
0x55: {  	[sflag:s18] =	ssyncadd.s32 $0xFFFFD000  }
0x56: {  	[spmem:s3] =	stream.indirect.scatter.add.f32 [tilespmem:s15], [sflag:$0x4], $0x80, s23, s14, $0xb8;
	[tilespmem:$0x1EF00] =	vst v63  }
0x57: {  	_ =	swait.ge [sflag:s12], $0x3000  }
0x58: {  	s25 =	sadd.s32 $0x1, s25;
	[sflag:s12] =	ssyncset.done $0x0  }
0x59: {  	p0 =	sne.s32 s25, s10;
	[sflag:s12] =	ssyncadd.s32 $0xFFFFD000  }
.Ltmp1:
0x5a: {  	[bflag:$0x0] =	sbarrier.arrive $0xFFFF;
	(pc) =	sbr.rel @p0 .LBB2_1-.Ltmp1, $4  }
0x5b: {  	[hbm:s9], [sflag:s24] =	dma.local [spmem:s11], $0x2800  }
0x5c: {  	_ =	swait.ge [sflag:s12], $0x2800  }
0x5d: {  	[sflag:s12] =	ssyncset.done $0x0  }
0x5e: {  	[sflag:s12] =	ssyncadd.s32 $0xFFFFD800  }
0x5f: {  	_ =	sfence.sel $0x180000  }
0x60: {  	[bflag:$0x0] =	sbarrier.arrive $0xFFFF  }
0x61: {  	p0 =	sne.s32 s2, $0x0;
	_ =	strace $0x90000047  }
0x62: {  	s0 =	sadd.s32 @!p0 $0x100000, s1;
	[bflag:$0x2] =	sbarrier.arrive $0xFFFF  }
0x63: {  	[sflag:s0] =	ssyncadd.tile.s32 @!p0 $0x1;
	_ =	shalt  }
.Lfunc_end2:
_tile_overlayer_lowered:
.L_overlay_start_2:
0x64: {  	(tag) =	ssettag $0x2  }
0x65: {  	s0 =	rddreg [dreg:$0x0];
	s2 =	stileid.u32  }
0x66: {  	s1 =	rddreg [dreg:$0x1];
	p0 =	sne.s32 s2, $0x0  }
0x67: {  	s3 =	rddreg [dreg:$0x2];
	[bflag:$0x3] =	sbarrier.arrive $0xFFFF;
	s2 =	simm.s32 @!p0 $0x1C04  }
0x68: {  	[timem:s3], [sflag:s2] =	dma.local @!p0 [hbm:s0], s1  }
0x69: {  	s0 =	simm.s32 @!p0 $0x4  }
0x6a: {  	_ =	swait.ge @!p0 [sflag:s0], s1  }
0x6b: {  	s1 =	ssub.s32 @!p0 $0x0, s1;
	[sflag:s0] =	ssyncset.done @!p0 $0x0  }
0x6c: {  	[sflag:s0] =	ssyncadd.s32 @!p0 s1  }
0x6d: {  	[bflag:$0x3] =	sbarrier.arrive $0xFFFF  }
0x6e: {  	_ =	shalt  }

</sc_bundles>
